<compile_context>
chip_gen: v7x
topology: tpu7x:2x2x1
jax: 0.10.2.dev20260603
libtpu: 0.0.44.dev20260713+nightly
codegen_flags: <defaults>
</compile_context>

<pallas_src>
import functools

import jax
import jax.numpy as jnp
from jax import lax
from jax.experimental import pallas as pl
from jax.experimental.pallas import tpu as pltpu
from jax.experimental.pallas import tpu_sc as plsc

OHEM_RATIO = 0.2
ROWS = 64
COLS = 8192
N = ROWS * COLS
K = max(1, int(N * OHEM_RATIO))

NW = 32
SHARD = N // NW
UNROLL = 32
VECS = SHARD // (16 * UNROLL)
NB = 4096
SHIFT1 = 19
REFINE_ITERS = 6


def _loss_kernel(inp_ref, tgt_ref, out_ref):
    inp = inp_ref[...]
    tgt = tgt_ref[...]
    log_p = jnp.maximum(jnp.log(inp), -100.0)
    log_1mp = jnp.maximum(jnp.log1p(-inp), -100.0)
    loss = -(tgt * log_p + (1.0 - tgt) * log_1mp)
    out_ref[...] = jnp.maximum(jax.lax.bitcast_convert_type(loss, jnp.int32), 0)


_sc_mesh = plsc.VectorSubcoreMesh(core_axis_name="c", subcore_axis_name="s")


@functools.partial(
    pl.kernel,
    mesh=_sc_mesh,
    out_type=jax.ShapeDtypeStruct((NW, NB), jnp.int32),
    compiler_params=pltpu.CompilerParams(needs_layout_passes=False),
    scratch_types=[
        pltpu.VMEM((SHARD,), jnp.int32),
        pltpu.VMEM((NB,), jnp.int32),
        pltpu.SemaphoreType.DMA,
    ],
)
def _sc_hist(bits_hbm, hist_out, bits_v, hist_v, sem):
    wid = lax.axis_index("s") * 2 + lax.axis_index("c")
    cp = pltpu.async_copy(bits_hbm.at[pl.ds(wid * SHARD, SHARD)], bits_v, sem)

    zeros = jnp.zeros((16,), jnp.int32)

    def zbody(i, c):
        hist_v[pl.ds(i * 16, 16)] = zeros
        return c

    lax.fori_loop(0, NB // 16, zbody, 0)
    cp.wait()

    ones = jnp.ones((16,), jnp.int32)

    def body(i, c):
        base = i * (16 * UNROLL)
        for u in range(UNROLL):
            bits = bits_v[pl.ds(base + u * 16, 16)]
            bucket = bits >> SHIFT1
            plsc.addupdate_scatter(hist_v, [bucket], ones)
        return c

    lax.fori_loop(0, VECS, body, 0)
    pltpu.sync_copy(hist_v, hist_out.at[wid])


def _final_kernel(bits_ref, hist_ref, out_ref):
    iota = lax.broadcasted_iota(jnp.int32, (1, NB), 1)
    g = jnp.sum(hist_ref[...], axis=0, keepdims=True)

    def bucket_body(_, carry):
        lo, hi = carry
        mid = lo + (hi - lo) // 2
        cnt = jnp.sum(jnp.where(iota >= mid, g, 0))
        ge_k = cnt >= K
        return jnp.where(ge_k, mid, lo), jnp.where(ge_k, hi, mid)

    b1, _ = lax.fori_loop(0, 12, bucket_body, (jnp.int32(0), jnp.int32(NB)))

    bits = bits_ref[...]

    def bit_body(_, carry):
        lo, hi = carry
        mid = lo + (hi - lo) // 2
        cnt = jnp.sum((bits >= mid).astype(jnp.int32))
        ge_k = cnt >= K
        return jnp.where(ge_k, mid, lo), jnp.where(ge_k, hi, mid)

    lo0 = b1 << SHIFT1
    hi0 = lo0 + (1 << SHIFT1)
    lo, hi = lax.fori_loop(0, REFINE_ITERS, bit_body, (lo0, hi0))

    lv = jax.lax.bitcast_convert_type(bits, jnp.float32)
    ge_hi = bits >= hi
    in_br = jnp.logical_and(bits >= lo, jnp.logical_not(ge_hi))
    sum_hi = jnp.sum(jnp.where(ge_hi, lv, 0.0))
    cnt_hi = jnp.sum(ge_hi.astype(jnp.int32))
    sum_br = jnp.sum(jnp.where(in_br, lv, 0.0))
    cnt_br = jnp.sum(in_br.astype(jnp.int32))
    avg_br = sum_br / cnt_br.astype(jnp.float32)
    total = sum_hi + (K - cnt_hi).astype(jnp.float32) * avg_br
    out_ref[0, 0] = total / jnp.float32(K)


def kernel(input, target):
    bits = pl.pallas_call(
        _loss_kernel,
        out_shape=jax.ShapeDtypeStruct((ROWS, COLS), jnp.int32),
    )(input, target)

    hist = _sc_hist(bits.reshape(N))

    out = pl.pallas_call(
        _final_kernel,
        out_shape=jax.ShapeDtypeStruct((1, 1), jnp.float32),
        out_specs=pl.BlockSpec(memory_space=pltpu.SMEM),
    )(bits, hist)
    return out[0, 0]

# --- scband reference (transcript-rebuilt; emitter-appended) ---
"""Pipeline reference for scband-ohembceloss-7421703487824 (READ-ONLY COPY).

The authoritative reference and input builder live on the scoring server;
editing this copy changes nothing except your own understanding.
"""

import jax, jax.numpy as jnp
import numpy as np

OHEM_RATIO = 0.2

def setup_inputs(seed: int = 0) -> dict:
    key = jax.random.key(seed)
    k1, k2 = jax.random.split(key)
    # BCELoss requires input probabilities in [0, 1]
    inp = jax.random.uniform(k1, (64, 8192), dtype=jnp.float32)
    target = jax.random.uniform(k2, (64, 8192), dtype=jnp.float32)
    return {"input": inp, "target": target}

def reference(input, target):
    # BCELoss with reduction='none'; torch clamps log terms at -100
    log_p = jnp.maximum(jnp.log(input), -100.0)
    log_1mp = jnp.maximum(jnp.log1p(-input), -100.0)
    loss = -(target * log_p + (1.0 - target) * log_1mp)
    loss_flat = loss.flatten()
    batch_size = loss_flat.shape[0]
    num_hard = max(1, int(batch_size * OHEM_RATIO))
    _, hard_indices = jax.lax.top_k(loss_flat, num_hard)
    hard_loss = loss_flat[hard_indices]
    # reduction == 'mean'
    return hard_loss.mean()

if __name__ == "__main__":
    import jax
    _d = setup_inputs()
    print(jax.jit(kernel)(*tuple(_d.values())))

</pallas_src>

<mosaic_0001>
#map = affine_map<(d0, d1) -> (0)>
#map1 = affine_map<(d0, d1) -> (0, 0)>
module attributes {stable_mosaic.version = 14 : i64} {
  func.func @_sc_hist(%arg0: i32, %arg1: i32, %arg2: memref<524288xi32, #tpu.memory_space<hbm>>, %arg3: memref<32x4096xi32, #tpu.memory_space<hbm>>, %arg4: memref<16384xi32, #tpu.memory_space<vmem>>, %arg5: memref<4096xi32, #tpu.memory_space<vmem>>, %arg6: memref<!tpu.dma_semaphore, #tpu.memory_space<semaphore_mem>>) attributes {dimension_semantics = [#tpu.dimension_semantics<core_parallel>, #tpu.dimension_semantics<subcore_parallel>], iteration_bounds = array<i64: 2, 16>, scalar_prefetch = 0 : i64, scratch_operands = 3 : i64, tpu.core_type = #tpu.core_type<sc_vector_subcore>, window_params = [{transform_indices = #map}, {transform_indices = #map1}]} {
    %mul3A = arith.constant 2 : i32
    %mul3A_0 = arith.muli %arg1, %mul3A : i32
    %add3A = arith.addi %mul3A_0, %arg0 : i32
    %mul3A_1 = arith.constant 16384 : i32
    %mul3A_2 = arith.muli %add3A, %mul3A_1 : i32
    %dma_start3A = tpu.memref_slice %arg2[%mul3A_2] : memref<524288xi32, #tpu.memory_space<hbm>> -> memref<16384xi32, #tpu.memory_space<hbm>>
    %dma_start3A_3 = tpu.memref_slice %arg2[%mul3A_2] : memref<524288xi32, #tpu.memory_space<hbm>> -> memref<16384xi32, #tpu.memory_space<hbm>>
    tpu.enqueue_dma source(%dma_start3A_3 : memref<16384xi32, #tpu.memory_space<hbm>>) target(%arg4 : memref<16384xi32, #tpu.memory_space<vmem>>) target_semaphore(%arg6 : memref<!tpu.dma_semaphore, #tpu.memory_space<semaphore_mem>>)
    %broadcast_in_dim3A = arith.constant 0 : i32
    %broadcast_in_dim3A_4 = vector.broadcast %broadcast_in_dim3A : i32 to vector<16xi32>
    %scan3A = arith.constant 0 : i32
    %scan3A_5 = arith.constant 0 : i32
    %scan3A_6 = arith.constant 256 : i32
    %scan3A_7 = arith.addi %scan3A_5, %scan3A_6 : i32
    %scan3A_8 = arith.constant 1 : i32
    scf.for %scan3A_19 = %scan3A_5 to %scan3A_7 step %scan3A_8  : i32 {
      %mul3A_20 = arith.constant 16 : i32
      %mul3A_21 = arith.muli %scan3A_19, %mul3A_20 : i32
      %swap3A = arith.index_cast %mul3A_21 : i32 to index
      %swap3A_22 = tpu.vector_load %arg5[%swap3A] {strides = array<i32>} : memref<4096xi32, #tpu.memory_space<vmem>>, vector<16xi32>,
      tpu.vector_store %arg5[%swap3A], %broadcast_in_dim3A_4 {strides = array<i32>} : memref<4096xi32, #tpu.memory_space<vmem>>, vector<16xi32>,
    }
    %scan3A_9 = arith.constant 256 : i32
    %dma_wait3A = tpu.memref_slice %arg2[%mul3A_2] : memref<524288xi32, #tpu.memory_space<hbm>> -> memref<16384xi32, #tpu.memory_space<hbm>>
    %dma_wait3A_10 = tpu.memref_slice %arg2[%mul3A_2] : memref<524288xi32, #tpu.memory_space<hbm>> -> memref<16384xi32, #tpu.memory_space<hbm>>
    tpu.wait_dma2 semaphore(%arg6 : memref<!tpu.dma_semaphore, #tpu.memory_space<semaphore_mem>>) src(%dma_wait3A_10 : memref<16384xi32, #tpu.memory_space<hbm>>) dst(%arg4 : memref<16384xi32, #tpu.memory_space<vmem>>)
    %broadcast_in_dim3A_11 = arith.constant 1 : i32
    %broadcast_in_dim3A_12 = vector.broadcast %broadcast_in_dim3A_11 : i32 to vector<16xi32>
    %scan3A_13 = arith.constant 0 : i32
    %scan3A_14 = arith.constant 0 : i32
    %scan3A_15 = arith.constant 32 : i32
    %scan3A_16 = arith.addi %scan3A_14, %scan3A_15 : i32
    %scan3A_17 = arith.constant 1 : i32
    scf.for %scan3A_19 = %scan3A_14 to %scan3A_16 step %scan3A_17  : i32 {
      %mul3A_20 = arith.constant 512 : i32
      %mul3A_21 = arith.muli %scan3A_19, %mul3A_20 : i32
      %add3A_22 = arith.constant 0 : i32
      %add3A_23 = arith.addi %mul3A_21, %add3A_22 : i32
      %get3A = arith.index_cast %add3A_23 : i32 to index
      %get3A_24 = tpu.vector_load %arg4[%get3A] {strides = array<i32>} : memref<16384xi32, #tpu.memory_space<vmem>>, vector<16xi32>,
      %shift_right_arithmetic3A = arith.constant 19 : i32
      %shift_right_arithmetic3A_25 = vector.broadcast %shift_right_arithmetic3A : i32 to vector<16xi32>
      %shift_right_arithmetic3A_26 = arith.shrsi %get3A_24, %shift_right_arithmetic3A_25 : vector<16xi32>
      tpu.vector_store_idx %arg5[%shift_right_arithmetic3A_26], %broadcast_in_dim3A_12 {add = true} : memref<4096xi32, #tpu.memory_space<vmem>>[vector<16xi32>], vector<16xi32>,
      %add3A_27 = arith.constant 16 : i32
      %add3A_28 = arith.addi %mul3A_21, %add3A_27 : i32
      %get3A_29 = arith.index_cast %add3A_28 : i32 to index
      %get3A_30 = tpu.vector_load %arg4[%get3A_29] {strides = array<i32>} : memref<16384xi32, #tpu.memory_space<vmem>>, vector<16xi32>,
      %shift_right_arithmetic3A_31 = arith.constant 19 : i32
      %shift_right_arithmetic3A_32 = vector.broadcast %shift_right_arithmetic3A_31 : i32 to vector<16xi32>
      %shift_right_arithmetic3A_33 = arith.shrsi %get3A_30, %shift_right_arithmetic3A_32 : vector<16xi32>
      tpu.vector_store_idx %arg5[%shift_right_arithmetic3A_33], %broadcast_in_dim3A_12 {add = true} : memref<4096xi32, #tpu.memory_space<vmem>>[vector<16xi32>], vector<16xi32>,
      %add3A_34 = arith.constant 32 : i32
      %add3A_35 = arith.addi %mul3A_21, %add3A_34 : i32
      %get3A_36 = arith.index_cast %add3A_35 : i32 to index
      %get3A_37 = tpu.vector_load %arg4[%get3A_36] {strides = array<i32>} : memref<16384xi32, #tpu.memory_space<vmem>>, vector<16xi32>,
      %shift_right_arithmetic3A_38 = arith.constant 19 : i32
      %shift_right_arithmetic3A_39 = vector.broadcast %shift_right_arithmetic3A_38 : i32 to vector<16xi32>
      %shift_right_arithmetic3A_40 = arith.shrsi %get3A_37, %shift_right_arithmetic3A_39 : vector<16xi32>
      tpu.vector_store_idx %arg5[%shift_right_arithmetic3A_40], %broadcast_in_dim3A_12 {add = true} : memref<4096xi32, #tpu.memory_space<vmem>>[vector<16xi32>], vector<16xi32>,
      %add3A_41 = arith.constant 48 : i32
      %add3A_42 = arith.addi %mul3A_21, %add3A_41 : i32
      %get3A_43 = arith.index_cast %add3A_42 : i32 to index
      %get3A_44 = tpu.vector_load %arg4[%get3A_43] {strides = array<i32>} : memref<16384xi32, #tpu.memory_space<vmem>>, vector<16xi32>,
      %shift_right_arithmetic3A_45 = arith.constant 19 : i32
      %shift_right_arithmetic3A_46 = vector.broadcast %shift_right_arithmetic3A_45 : i32 to vector<16xi32>
      %shift_right_arithmetic3A_47 = arith.shrsi %get3A_44, %shift_right_arithmetic3A_46 : vector<16xi32>
      tpu.vector_store_idx %arg5[%shift_right_arithmetic3A_47], %broadcast_in_dim3A_12 {add = true} : memref<4096xi32, #tpu.memory_space<vmem>>[vector<16xi32>], vector<16xi32>,
      %add3A_48 = arith.constant 64 : i32
      %add3A_49 = arith.addi %mul3A_21, %add3A_48 : i32
      %get3A_50 = arith.index_cast %add3A_49 : i32 to index
      %get3A_51 = tpu.vector_load %arg4[%get3A_50] {strides = array<i32>} : memref<16384xi32, #tpu.memory_space<vmem>>, vector<16xi32>,
      %shift_right_arithmetic3A_52 = arith.constant 19 : i32
      %shift_right_arithmetic3A_53 = vector.broadcast %shift_right_arithmetic3A_52 : i32 to vector<16xi32>
      %shift_right_arithmetic3A_54 = arith.shrsi %get3A_51, %shift_right_arithmetic3A_53 : vector<16xi32>
      tpu.vector_store_idx %arg5[%shift_right_arithmetic3A_54], %broadcast_in_dim3A_12 {add = true} : memref<4096xi32, #tpu.memory_space<vmem>>[vector<16xi32>], vector<16xi32>,
      %add3A_55 = arith.constant 80 : i32
      %add3A_56 = arith.addi %mul3A_21, %add3A_55 : i32
      %get3A_57 = arith.index_cast %add3A_56 : i32 to index
      %get3A_58 = tpu.vector_load %arg4[%get3A_57] {strides = array<i32>} : memref<16384xi32, #tpu.memory_space<vmem>>, vector<16xi32>,
      %shift_right_arithmetic3A_59 = arith.constant 19 : i32
      %shift_right_arithmetic3A_60 = vector.broadcast %shift_right_arithmetic3A_59 : i32 to vector<16xi32>
      %shift_right_arithmetic3A_61 = arith.shrsi %get3A_58, %shift_right_arithmetic3A_60 : vector<16xi32>
      tpu.vector_store_idx %arg5[%shift_right_arithmetic3A_61], %broadcast_in_dim3A_12 {add = true} : memref<4096xi32, #tpu.memory_space<vmem>>[vector<16xi32>], vector<16xi32>,
      %add3A_62 = arith.constant 96 : i32
      %add3A_63 = arith.addi %mul3A_21, %add3A_62 : i32
      %get3A_64 = arith.index_cast %add3A_63 : i32 to index
      %get3A_65 = tpu.vector_load %arg4[%get3A_64] {strides = array<i32>} : memref<16384xi32, #tpu.memory_space<vmem>>, vector<16xi32>,
      %shift_right_arithmetic3A_66 = arith.constant 19 : i32
      %shift_right_arithmetic3A_67 = vector.broadcast %shift_right_arithmetic3A_66 : i32 to vector<16xi32>
      %shift_right_arithmetic3A_68 = arith.shrsi %get3A_65, %shift_right_arithmetic3A_67 : vector<16xi32>
      tpu.vector_store_idx %arg5[%shift_right_arithmetic3A_68], %broadcast_in_dim3A_12 {add = true} : memref<4096xi32, #tpu.memory_space<vmem>>[vector<16xi32>], vector<16xi32>,
      %add3A_69 = arith.constant 112 : i32
      %add3A_70 = arith.addi %mul3A_21, %add3A_69 : i32
      %get3A_71 = arith.index_cast %add3A_70 : i32 to index
      %get3A_72 = tpu.vector_load %arg4[%get3A_71] {strides = array<i32>} : memref<16384xi32, #tpu.memory_space<vmem>>, vector<16xi32>,
      %shift_right_arithmetic3A_73 = arith.constant 19 : i32
      %shift_right_arithmetic3A_74 = vector.broadcast %shift_right_arithmetic3A_73 : i32 to vector<16xi32>
      %shift_right_arithmetic3A_75 = arith.shrsi %get3A_72, %shift_right_arithmetic3A_74 : vector<16xi32>
      tpu.vector_store_idx %arg5[%shift_right_arithmetic3A_75], %broadcast_in_dim3A_12 {add = true} : memref<4096xi32, #tpu.memory_space<vmem>>[vector<16xi32>], vector<16xi32>,
      %add3A_76 = arith.constant 128 : i32
      %add3A_77 = arith.addi %mul3A_21, %add3A_76 : i32
      %get3A_78 = arith.index_cast %add3A_77 : i32 to index
      %get3A_79 = tpu.vector_load %arg4[%get3A_78] {strides = array<i32>} : memref<16384xi32, #tpu.memory_space<vmem>>, vector<16xi32>,
      %shift_right_arithmetic3A_80 = arith.constant 19 : i32
      %shift_right_arithmetic3A_81 = vector.broadcast %shift_right_arithmetic3A_80 : i32 to vector<16xi32>
      %shift_right_arithmetic3A_82 = arith.shrsi %get3A_79, %shift_right_arithmetic3A_81 : vector<16xi32>
      tpu.vector_store_idx %arg5[%shift_right_arithmetic3A_82], %broadcast_in_dim3A_12 {add = true} : memref<4096xi32, #tpu.memory_space<vmem>>[vector<16xi32>], vector<16xi32>,
      %add3A_83 = arith.constant 144 : i32
      %add3A_84 = arith.addi %mul3A_21, %add3A_83 : i32
      %get3A_85 = arith.index_cast %add3A_84 : i32 to index
      %get3A_86 = tpu.vector_load %arg4[%get3A_85] {strides = array<i32>} : memref<16384xi32, #tpu.memory_space<vmem>>, vector<16xi32>,
      %shift_right_arithmetic3A_87 = arith.constant 19 : i32
      %shift_right_arithmetic3A_88 = vector.broadcast %shift_right_arithmetic3A_87 : i32 to vector<16xi32>
      %shift_right_arithmetic3A_89 = arith.shrsi %get3A_86, %shift_right_arithmetic3A_88 : vector<16xi32>
      tpu.vector_store_idx %arg5[%shift_right_arithmetic3A_89], %broadcast_in_dim3A_12 {add = true} : memref<4096xi32, #tpu.memory_space<vmem>>[vector<16xi32>], vector<16xi32>,
      %add3A_90 = arith.constant 160 : i32
      %add3A_91 = arith.addi %mul3A_21, %add3A_90 : i32
      %get3A_92 = arith.index_cast %add3A_91 : i32 to index
      %get3A_93 = tpu.vector_load %arg4[%get3A_92] {strides = array<i32>} : memref<16384xi32, #tpu.memory_space<vmem>>, vector<16xi32>,
      %shift_right_arithmetic3A_94 = arith.constant 19 : i32
      %shift_right_arithmetic3A_95 = vector.broadcast %shift_right_arithmetic3A_94 : i32 to vector<16xi32>
      %shift_right_arithmetic3A_96 = arith.shrsi %get3A_93, %shift_right_arithmetic3A_95 : vector<16xi32>
      tpu.vector_store_idx %arg5[%shift_right_arithmetic3A_96], %broadcast_in_dim3A_12 {add = true} : memref<4096xi32, #tpu.memory_space<vmem>>[vector<16xi32>], vector<16xi32>,
      %add3A_97 = arith.constant 176 : i32
      %add3A_98 = arith.addi %mul3A_21, %add3A_97 : i32
      %get3A_99 = arith.index_cast %add3A_98 : i32 to index
      %get3A_100 = tpu.vector_load %arg4[%get3A_99] {strides = array<i32>} : memref<16384xi32, #tpu.memory_space<vmem>>, vector<16xi32>,
      %shift_right_arithmetic3A_101 = arith.constant 19 : i32
      %shift_right_arithmetic3A_102 = vector.broadcast %shift_right_arithmetic3A_101 : i32 to vector<16xi32>
      %shift_right_arithmetic3A_103 = arith.shrsi %get3A_100, %shift_right_arithmetic3A_102 : vector<16xi32>
      tpu.vector_store_idx %arg5[%shift_right_arithmetic3A_103], %broadcast_in_dim3A_12 {add = true} : memref<4096xi32, #tpu.memory_space<vmem>>[vector<16xi32>], vector<16xi32>,
      %add3A_104 = arith.constant 192 : i32
      %add3A_105 = arith.addi %mul3A_21, %add3A_104 : i32
      %get3A_106 = arith.index_cast %add3A_105 : i32 to index
      %get3A_107 = tpu.vector_load %arg4[%get3A_106] {strides = array<i32>} : memref<16384xi32, #tpu.memory_space<vmem>>, vector<16xi32>,
      %shift_right_arithmetic3A_108 = arith.constant 19 : i32
      %shift_right_arithmetic3A_109 = vector.broadcast %shift_right_arithmetic3A_108 : i32 to vector<16xi32>
      %shift_right_arithmetic3A_110 = arith.shrsi %get3A_107, %shift_right_arithmetic3A_109 : vector<16xi32>
      tpu.vector_store_idx %arg5[%shift_right_arithmetic3A_110], %broadcast_in_dim3A_12 {add = true} : memref<4096xi32, #tpu.memory_space<vmem>>[vector<16xi32>], vector<16xi32>,
      %add3A_111 = arith.constant 208 : i32
      %add3A_112 = arith.addi %mul3A_21, %add3A_111 : i32
      %get3A_113 = arith.index_cast %add3A_112 : i32 to index
      %get3A_114 = tpu.vector_load %arg4[%get3A_113] {strides = array<i32>} : memref<16384xi32, #tpu.memory_space<vmem>>, vector<16xi32>,
      %shift_right_arithmetic3A_115 = arith.constant 19 : i32
      %shift_right_arithmetic3A_116 = vector.broadcast %shift_right_arithmetic3A_115 : i32 to vector<16xi32>
      %shift_right_arithmetic3A_117 = arith.shrsi %get3A_114, %shift_right_arithmetic3A_116 : vector<16xi32>
      tpu.vector_store_idx %arg5[%shift_right_arithmetic3A_117], %broadcast_in_dim3A_12 {add = true} : memref<4096xi32, #tpu.memory_space<vmem>>[vector<16xi32>], vector<16xi32>,
      %add3A_118 = arith.constant 224 : i32
      %add3A_119 = arith.addi %mul3A_21, %add3A_118 : i32
      %get3A_120 = arith.index_cast %add3A_119 : i32 to index
      %get3A_121 = tpu.vector_load %arg4[%get3A_120] {strides = array<i32>} : memref<16384xi32, #tpu.memory_space<vmem>>, vector<16xi32>,
      %shift_right_arithmetic3A_122 = arith.constant 19 : i32
      %shift_right_arithmetic3A_123 = vector.broadcast %shift_right_arithmetic3A_122 : i32 to vector<16xi32>
      %shift_right_arithmetic3A_124 = arith.shrsi %get3A_121, %shift_right_arithmetic3A_123 : vector<16xi32>
      tpu.vector_store_idx %arg5[%shift_right_arithmetic3A_124], %broadcast_in_dim3A_12 {add = true} : memref<4096xi32, #tpu.memory_space<vmem>>[vector<16xi32>], vector<16xi32>,
      %add3A_125 = arith.constant 240 : i32
      %add3A_126 = arith.addi %mul3A_21, %add3A_125 : i32
      %get3A_127 = arith.index_cast %add3A_126 : i32 to index
      %get3A_128 = tpu.vector_load %arg4[%get3A_127] {strides = array<i32>} : memref<16384xi32, #tpu.memory_space<vmem>>, vector<16xi32>,
      %shift_right_arithmetic3A_129 = arith.constant 19 : i32
      %shift_right_arithmetic3A_130 = vector.broadcast %shift_right_arithmetic3A_129 : i32 to vector<16xi32>
      %shift_right_arithmetic3A_131 = arith.shrsi %get3A_128, %shift_right_arithmetic3A_130 : vector<16xi32>
      tpu.vector_store_idx %arg5[%shift_right_arithmetic3A_131], %broadcast_in_dim3A_12 {add = true} : memref<4096xi32, #tpu.memory_space<vmem>>[vector<16xi32>], vector<16xi32>,
      %add3A_132 = arith.constant 256 : i32
      %add3A_133 = arith.addi %mul3A_21, %add3A_132 : i32
      %get3A_134 = arith.index_cast %add3A_133 : i32 to index
      %get3A_135 = tpu.vector_load %arg4[%get3A_134] {strides = array<i32>} : memref<16384xi32, #tpu.memory_space<vmem>>, vector<16xi32>,
      %shift_right_arithmetic3A_136 = arith.constant 19 : i32
      %shift_right_arithmetic3A_137 = vector.broadcast %shift_right_arithmetic3A_136 : i32 to vector<16xi32>
      %shift_right_arithmetic3A_138 = arith.shrsi %get3A_135, %shift_right_arithmetic3A_137 : vector<16xi32>
      tpu.vector_store_idx %arg5[%shift_right_arithmetic3A_138], %broadcast_in_dim3A_12 {add = true} : memref<4096xi32, #tpu.memory_space<vmem>>[vector<16xi32>], vector<16xi32>,
      %add3A_139 = arith.constant 272 : i32
      %add3A_140 = arith.addi %mul3A_21, %add3A_139 : i32
      %get3A_141 = arith.index_cast %add3A_140 : i32 to index
      %get3A_142 = tpu.vector_load %arg4[%get3A_141] {strides = array<i32>} : memref<16384xi32, #tpu.memory_space<vmem>>, vector<16xi32>,
      %shift_right_arithmetic3A_143 = arith.constant 19 : i32
      %shift_right_arithmetic3A_144 = vector.broadcast %shift_right_arithmetic3A_143 : i32 to vector<16xi32>
      %shift_right_arithmetic3A_145 = arith.shrsi %get3A_142, %shift_right_arithmetic3A_144 : vector<16xi32>
      tpu.vector_store_idx %arg5[%shift_right_arithmetic3A_145], %broadcast_in_dim3A_12 {add = true} : memref<4096xi32, #tpu.memory_space<vmem>>[vector<16xi32>], vector<16xi32>,
      %add3A_146 = arith.constant 288 : i32
      %add3A_147 = arith.addi %mul3A_21, %add3A_146 : i32
      %get3A_148 = arith.index_cast %add3A_147 : i32 to index
      %get3A_149 = tpu.vector_load %arg4[%get3A_148] {strides = array<i32>} : memref<16384xi32, #tpu.memory_space<vmem>>, vector<16xi32>,
      %shift_right_arithmetic3A_150 = arith.constant 19 : i32
      %shift_right_arithmetic3A_151 = vector.broadcast %shift_right_arithmetic3A_150 : i32 to vector<16xi32>
      %shift_right_arithmetic3A_152 = arith.shrsi %get3A_149, %shift_right_arithmetic3A_151 : vector<16xi32>
      tpu.vector_store_idx %arg5[%shift_right_arithmetic3A_152], %broadcast_in_dim3A_12 {add = true} : memref<4096xi32, #tpu.memory_space<vmem>>[vector<16xi32>], vector<16xi32>,
      %add3A_153 = arith.constant 304 : i32
      %add3A_154 = arith.addi %mul3A_21, %add3A_153 : i32
      %get3A_155 = arith.index_cast %add3A_154 : i32 to index
      %get3A_156 = tpu.vector_load %arg4[%get3A_155] {strides = array<i32>} : memref<16384xi32, #tpu.memory_space<vmem>>, vector<16xi32>,
      %shift_right_arithmetic3A_157 = arith.constant 19 : i32
      %shift_right_arithmetic3A_158 = vector.broadcast %shift_right_arithmetic3A_157 : i32 to vector<16xi32>
      %shift_right_arithmetic3A_159 = arith.shrsi %get3A_156, %shift_right_arithmetic3A_158 : vector<16xi32>
      tpu.vector_store_idx %arg5[%shift_right_arithmetic3A_159], %broadcast_in_dim3A_12 {add = true} : memref<4096xi32, #tpu.memory_space<vmem>>[vector<16xi32>], vector<16xi32>,
      %add3A_160 = arith.constant 320 : i32
      %add3A_161 = arith.addi %mul3A_21, %add3A_160 : i32
      %get3A_162 = arith.index_cast %add3A_161 : i32 to index
      %get3A_163 = tpu.vector_load %arg4[%get3A_162] {strides = array<i32>} : memref<16384xi32, #tpu.memory_space<vmem>>, vector<16xi32>,
      %shift_right_arithmetic3A_164 = arith.constant 19 : i32
      %shift_right_arithmetic3A_165 = vector.broadcast %shift_right_arithmetic3A_164 : i32 to vector<16xi32>
      %shift_right_arithmetic3A_166 = arith.shrsi %get3A_163, %shift_right_arithmetic3A_165 : vector<16xi32>
      tpu.vector_store_idx %arg5[%shift_right_arithmetic3A_166], %broadcast_in_dim3A_12 {add = true} : memref<4096xi32, #tpu.memory_space<vmem>>[vector<16xi32>], vector<16xi32>,
      %add3A_167 = arith.constant 336 : i32
      %add3A_168 = arith.addi %mul3A_21, %add3A_167 : i32
      %get3A_169 = arith.index_cast %add3A_168 : i32 to index
      %get3A_170 = tpu.vector_load %arg4[%get3A_169] {strides = array<i32>} : memref<16384xi32, #tpu.memory_space<vmem>>, vector<16xi32>,
      %shift_right_arithmetic3A_171 = arith.constant 19 : i32
      %shift_right_arithmetic3A_172 = vector.broadcast %shift_right_arithmetic3A_171 : i32 to vector<16xi32>
      %shift_right_arithmetic3A_173 = arith.shrsi %get3A_170, %shift_right_arithmetic3A_172 : vector<16xi32>
      tpu.vector_store_idx %arg5[%shift_right_arithmetic3A_173], %broadcast_in_dim3A_12 {add = true} : memref<4096xi32, #tpu.memory_space<vmem>>[vector<16xi32>], vector<16xi32>,
      %add3A_174 = arith.constant 352 : i32
      %add3A_175 = arith.addi %mul3A_21, %add3A_174 : i32
      %get3A_176 = arith.index_cast %add3A_175 : i32 to index
      %get3A_177 = tpu.vector_load %arg4[%get3A_176] {strides = array<i32>} : memref<16384xi32, #tpu.memory_space<vmem>>, vector<16xi32>,
      %shift_right_arithmetic3A_178 = arith.constant 19 : i32
      %shift_right_arithmetic3A_179 = vector.broadcast %shift_right_arithmetic3A_178 : i32 to vector<16xi32>
      %shift_right_arithmetic3A_180 = arith.shrsi %get3A_177, %shift_right_arithmetic3A_179 : vector<16xi32>
      tpu.vector_store_idx %arg5[%shift_right_arithmetic3A_180], %broadcast_in_dim3A_12 {add = true} : memref<4096xi32, #tpu.memory_space<vmem>>[vector<16xi32>], vector<16xi32>,
      %add3A_181 = arith.constant 368 : i32
      %add3A_182 = arith.addi %mul3A_21, %add3A_181 : i32
      %get3A_183 = arith.index_cast %add3A_182 : i32 to index
      %get3A_184 = tpu.vector_load %arg4[%get3A_183] {strides = array<i32>} : memref<16384xi32, #tpu.memory_space<vmem>>, vector<16xi32>,
      %shift_right_arithmetic3A_185 = arith.constant 19 : i32
      %shift_right_arithmetic3A_186 = vector.broadcast %shift_right_arithmetic3A_185 : i32 to vector<16xi32>
      %shift_right_arithmetic3A_187 = arith.shrsi %get3A_184, %shift_right_arithmetic3A_186 : vector<16xi32>
      tpu.vector_store_idx %arg5[%shift_right_arithmetic3A_187], %broadcast_in_dim3A_12 {add = true} : memref<4096xi32, #tpu.memory_space<vmem>>[vector<16xi32>], vector<16xi32>,
      %add3A_188 = arith.constant 384 : i32
      %add3A_189 = arith.addi %mul3A_21, %add3A_188 : i32
      %get3A_190 = arith.index_cast %add3A_189 : i32 to index
      %get3A_191 = tpu.vector_load %arg4[%get3A_190] {strides = array<i32>} : memref<16384xi32, #tpu.memory_space<vmem>>, vector<16xi32>,
      %shift_right_arithmetic3A_192 = arith.constant 19 : i32
      %shift_right_arithmetic3A_193 = vector.broadcast %shift_right_arithmetic3A_192 : i32 to vector<16xi32>
      %shift_right_arithmetic3A_194 = arith.shrsi %get3A_191, %shift_right_arithmetic3A_193 : vector<16xi32>
      tpu.vector_store_idx %arg5[%shift_right_arithmetic3A_194], %broadcast_in_dim3A_12 {add = true} : memref<4096xi32, #tpu.memory_space<vmem>>[vector<16xi32>], vector<16xi32>,
      %add3A_195 = arith.constant 400 : i32
      %add3A_196 = arith.addi %mul3A_21, %add3A_195 : i32
      %get3A_197 = arith.index_cast %add3A_196 : i32 to index
      %get3A_198 = tpu.vector_load %arg4[%get3A_197] {strides = array<i32>} : memref<16384xi32, #tpu.memory_space<vmem>>, vector<16xi32>,
      %shift_right_arithmetic3A_199 = arith.constant 19 : i32
      %shift_right_arithmetic3A_200 = vector.broadcast %shift_right_arithmetic3A_199 : i32 to vector<16xi32>
      %shift_right_arithmetic3A_201 = arith.shrsi %get3A_198, %shift_right_arithmetic3A_200 : vector<16xi32>
      tpu.vector_store_idx %arg5[%shift_right_arithmetic3A_201], %broadcast_in_dim3A_12 {add = true} : memref<4096xi32, #tpu.memory_space<vmem>>[vector<16xi32>], vector<16xi32>,
      %add3A_202 = arith.constant 416 : i32
      %add3A_203 = arith.addi %mul3A_21, %add3A_202 : i32
      %get3A_204 = arith.index_cast %add3A_203 : i32 to index
      %get3A_205 = tpu.vector_load %arg4[%get3A_204] {strides = array<i32>} : memref<16384xi32, #tpu.memory_space<vmem>>, vector<16xi32>,
      %shift_right_arithmetic3A_206 = arith.constant 19 : i32
      %shift_right_arithmetic3A_207 = vector.broadcast %shift_right_arithmetic3A_206 : i32 to vector<16xi32>
      %shift_right_arithmetic3A_208 = arith.shrsi %get3A_205, %shift_right_arithmetic3A_207 : vector<16xi32>
      tpu.vector_store_idx %arg5[%shift_right_arithmetic3A_208], %broadcast_in_dim3A_12 {add = true} : memref<4096xi32, #tpu.memory_space<vmem>>[vector<16xi32>], vector<16xi32>,
      %add3A_209 = arith.constant 432 : i32
      %add3A_210 = arith.addi %mul3A_21, %add3A_209 : i32
      %get3A_211 = arith.index_cast %add3A_210 : i32 to index
      %get3A_212 = tpu.vector_load %arg4[%get3A_211] {strides = array<i32>} : memref<16384xi32, #tpu.memory_space<vmem>>, vector<16xi32>,
      %shift_right_arithmetic3A_213 = arith.constant 19 : i32
      %shift_right_arithmetic3A_214 = vector.broadcast %shift_right_arithmetic3A_213 : i32 to vector<16xi32>
      %shift_right_arithmetic3A_215 = arith.shrsi %get3A_212, %shift_right_arithmetic3A_214 : vector<16xi32>
      tpu.vector_store_idx %arg5[%shift_right_arithmetic3A_215], %broadcast_in_dim3A_12 {add = true} : memref<4096xi32, #tpu.memory_space<vmem>>[vector<16xi32>], vector<16xi32>,
      %add3A_216 = arith.constant 448 : i32
      %add3A_217 = arith.addi %mul3A_21, %add3A_216 : i32
      %get3A_218 = arith.index_cast %add3A_217 : i32 to index
      %get3A_219 = tpu.vector_load %arg4[%get3A_218] {strides = array<i32>} : memref<16384xi32, #tpu.memory_space<vmem>>, vector<16xi32>,
      %shift_right_arithmetic3A_220 = arith.constant 19 : i32
      %shift_right_arithmetic3A_221 = vector.broadcast %shift_right_arithmetic3A_220 : i32 to vector<16xi32>
      %shift_right_arithmetic3A_222 = arith.shrsi %get3A_219, %shift_right_arithmetic3A_221 : vector<16xi32>
      tpu.vector_store_idx %arg5[%shift_right_arithmetic3A_222], %broadcast_in_dim3A_12 {add = true} : memref<4096xi32, #tpu.memory_space<vmem>>[vector<16xi32>], vector<16xi32>,
      %add3A_223 = arith.constant 464 : i32
      %add3A_224 = arith.addi %mul3A_21, %add3A_223 : i32
      %get3A_225 = arith.index_cast %add3A_224 : i32 to index
      %get3A_226 = tpu.vector_load %arg4[%get3A_225] {strides = array<i32>} : memref<16384xi32, #tpu.memory_space<vmem>>, vector<16xi32>,
      %shift_right_arithmetic3A_227 = arith.constant 19 : i32
      %shift_right_arithmetic3A_228 = vector.broadcast %shift_right_arithmetic3A_227 : i32 to vector<16xi32>
      %shift_right_arithmetic3A_229 = arith.shrsi %get3A_226, %shift_right_arithmetic3A_228 : vector<16xi32>
      tpu.vector_store_idx %arg5[%shift_right_arithmetic3A_229], %broadcast_in_dim3A_12 {add = true} : memref<4096xi32, #tpu.memory_space<vmem>>[vector<16xi32>], vector<16xi32>,
      %add3A_230 = arith.constant 480 : i32
      %add3A_231 = arith.addi %mul3A_21, %add3A_230 : i32
      %get3A_232 = arith.index_cast %add3A_231 : i32 to index
      %get3A_233 = tpu.vector_load %arg4[%get3A_232] {strides = array<i32>} : memref<16384xi32, #tpu.memory_space<vmem>>, vector<16xi32>,
      %shift_right_arithmetic3A_234 = arith.constant 19 : i32
      %shift_right_arithmetic3A_235 = vector.broadcast %shift_right_arithmetic3A_234 : i32 to vector<16xi32>
      %shift_right_arithmetic3A_236 = arith.shrsi %get3A_233, %shift_right_arithmetic3A_235 : vector<16xi32>
      tpu.vector_store_idx %arg5[%shift_right_arithmetic3A_236], %broadcast_in_dim3A_12 {add = true} : memref<4096xi32, #tpu.memory_space<vmem>>[vector<16xi32>], vector<16xi32>,
      %add3A_237 = arith.constant 496 : i32
      %add3A_238 = arith.addi %mul3A_21, %add3A_237 : i32
      %get3A_239 = arith.index_cast %add3A_238 : i32 to index
      %get3A_240 = tpu.vector_load %arg4[%get3A_239] {strides = array<i32>} : memref<16384xi32, #tpu.memory_space<vmem>>, vector<16xi32>,
      %shift_right_arithmetic3A_241 = arith.constant 19 : i32
      %shift_right_arithmetic3A_242 = vector.broadcast %shift_right_arithmetic3A_241 : i32 to vector<16xi32>
      %shift_right_arithmetic3A_243 = arith.shrsi %get3A_240, %shift_right_arithmetic3A_242 : vector<16xi32>
      tpu.vector_store_idx %arg5[%shift_right_arithmetic3A_243], %broadcast_in_dim3A_12 {add = true} : memref<4096xi32, #tpu.memory_space<vmem>>[vector<16xi32>], vector<16xi32>,
    }
    %scan3A_18 = arith.constant 32 : i32
    "tpu.region"() ({
      %run_scoped3A = tpu.sem_alloc : memref<!tpu.dma_semaphore, #tpu.memory_space<semaphore_mem>>
      %dma_start3A_19 = arith.constant 0 : i32
      %dma_start3A_20 = tpu.memref_slice %arg3[%add3A, %dma_start3A_19] : memref<32x4096xi32, #tpu.memory_space<hbm>> -> memref<1x4096xi32, #tpu.memory_space<hbm>>
      %dma_start3A_21 = tpu.memref_squeeze %dma_start3A_20 : memref<1x4096xi32, #tpu.memory_space<hbm>> -> memref<4096xi32, #tpu.memory_space<hbm>>
      %dma_start3A_22 = arith.constant 0 : i32
      %dma_start3A_23 = tpu.memref_slice %arg3[%add3A, %dma_start3A_22] : memref<32x4096xi32, #tpu.memory_space<hbm>> -> memref<1x4096xi32, #tpu.memory_space<hbm>>
      %dma_start3A_24 = tpu.memref_squeeze %dma_start3A_23 : memref<1x4096xi32, #tpu.memory_space<hbm>> -> memref<4096xi32, #tpu.memory_space<hbm>>
      tpu.enqueue_dma source(%arg5 : memref<4096xi32, #tpu.memory_space<vmem>>) target(%dma_start3A_24 : memref<4096xi32, #tpu.memory_space<hbm>>) target_semaphore(%run_scoped3A : memref<!tpu.dma_semaphore, #tpu.memory_space<semaphore_mem>>)
      %dma_wait3A_25 = arith.constant 0 : i32
      %dma_wait3A_26 = tpu.memref_slice %arg3[%add3A, %dma_wait3A_25] : memref<32x4096xi32, #tpu.memory_space<hbm>> -> memref<1x4096xi32, #tpu.memory_space<hbm>>
      %dma_wait3A_27 = tpu.memref_squeeze %dma_wait3A_26 : memref<1x4096xi32, #tpu.memory_space<hbm>> -> memref<4096xi32, #tpu.memory_space<hbm>>
      %dma_wait3A_28 = arith.constant 0 : i32
      %dma_wait3A_29 = tpu.memref_slice %arg3[%add3A, %dma_wait3A_28] : memref<32x4096xi32, #tpu.memory_space<hbm>> -> memref<1x4096xi32, #tpu.memory_space<hbm>>
      %dma_wait3A_30 = tpu.memref_squeeze %dma_wait3A_29 : memref<1x4096xi32, #tpu.memory_space<hbm>> -> memref<4096xi32, #tpu.memory_space<hbm>>
      tpu.wait_dma2 semaphore(%run_scoped3A : memref<!tpu.dma_semaphore, #tpu.memory_space<semaphore_mem>>) src(%arg5 : memref<4096xi32, #tpu.memory_space<vmem>>) dst(%dma_wait3A_30 : memref<4096xi32, #tpu.memory_space<hbm>>)
      tpu.yield
    }) : () -> ()
    return
  }
}

module attributes {stable_mosaic.version = 14 : i64} {
  func.func @_loss_kernel(%arg0: memref<64x8192xf32, #tpu.memory_space<vmem>>, %arg1: memref<64x8192xf32, #tpu.memory_space<vmem>>, %arg2: memref<64x8192xi32, #tpu.memory_space<vmem>>) attributes {dimension_semantics = [], scalar_prefetch = 0 : i64, scratch_operands = 0 : i64, tpu.core_type = #tpu.core_type<tc>} {
    %get3A = arith.constant 0 : index
    %get3A_0 = arith.constant 0 : index
    %get3A_1 = vector.load %arg0[%get3A, %get3A_0] : memref<64x8192xf32, #tpu.memory_space<vmem>>, vector<64x8192xf32>
    %get3A_2 = arith.constant 0 : index
    %get3A_3 = arith.constant 0 : index
    %get3A_4 = vector.load %arg1[%get3A_2, %get3A_3] : memref<64x8192xf32, #tpu.memory_space<vmem>>, vector<64x8192xf32>
    %log3A = math.log %get3A_1 : vector<64x8192xf32>
    %max3A = arith.constant -1.000000e+02 : f32
    %max3A_5 = vector.broadcast %max3A : f32 to vector<64x8192xf32>
    %max3A_6 = arith.maximumf %log3A, %max3A_5 : vector<64x8192xf32>
    %neg3A = arith.constant 0.000000e+00 : f32
    %neg3A_7 = vector.broadcast %neg3A : f32 to vector<64x8192xf32>
    %neg3A_8 = arith.subf %neg3A_7, %get3A_1 : vector<64x8192xf32>
    %log1p3A = math.log1p %neg3A_8 : vector<64x8192xf32>
    %max3A_9 = arith.constant -1.000000e+02 : f32
    %max3A_10 = vector.broadcast %max3A_9 : f32 to vector<64x8192xf32>
    %max3A_11 = arith.maximumf %log1p3A, %max3A_10 : vector<64x8192xf32>
    %mul3A = arith.mulf %get3A_4, %max3A_6 : vector<64x8192xf32>
    %sub3A = arith.constant 1.000000e+00 : f32
    %sub3A_12 = vector.broadcast %sub3A : f32 to vector<64x8192xf32>
    %sub3A_13 = arith.subf %sub3A_12, %get3A_4 : vector<64x8192xf32>
    %mul3A_14 = arith.mulf %sub3A_13, %max3A_11 : vector<64x8192xf32>
    %add3A = arith.addf %mul3A, %mul3A_14 : vector<64x8192xf32>
    %neg3A_15 = arith.constant 0.000000e+00 : f32
    %neg3A_16 = vector.broadcast %neg3A_15 : f32 to vector<64x8192xf32>
    %neg3A_17 = arith.subf %neg3A_16, %add3A : vector<64x8192xf32>
    %bitcast_convert_type3A = tpu.bitcast %neg3A_17 : vector<64x8192xf32> -> vector<64x8192xi32>
    %max3A_18 = arith.constant 0 : i32
    %max3A_19 = vector.broadcast %max3A_18 : i32 to vector<64x8192xi32>
    %max3A_20 = arith.maxsi %bitcast_convert_type3A, %max3A_19 : vector<64x8192xi32>
    %swap3A = arith.constant 0 : index
    %swap3A_21 = arith.constant 0 : index
    %swap3A_22 = vector.load %arg2[%swap3A, %swap3A_21] : memref<64x8192xi32, #tpu.memory_space<vmem>>, vector<64x8192xi32>
    tpu.vector_store %arg2[%swap3A, %swap3A_21], %max3A_20 {strides = array<i32>} : memref<64x8192xi32, #tpu.memory_space<vmem>>, vector<64x8192xi32>,
    return
  }
}

module attributes {stable_mosaic.version = 14 : i64} {
  func.func @_final_kernel(%arg0: memref<64x8192xi32, #tpu.memory_space<vmem>>, %arg1: memref<32x4096xi32, #tpu.memory_space<vmem>>, %arg2: memref<1x1xf32, #tpu.memory_space<smem>>) attributes {dimension_semantics = [], scalar_prefetch = 0 : i64, scratch_operands = 0 : i64, tpu.core_type = #tpu.core_type<tc>} {
    %iota3A = tpu.iota {dimensions = array<i32: 1>} : vector<1x4096xi32>
    %get3A = arith.constant 0 : index
    %get3A_0 = arith.constant 0 : index
    %get3A_1 = vector.load %arg1[%get3A, %get3A_0] : memref<32x4096xi32, #tpu.memory_space<vmem>>, vector<32x4096xi32>
    %reduce_sum3A = arith.constant dense<0> : vector<4096xi32>
    %reduce_sum3A_2 = vector.multi_reduction <add>, %get3A_1, %reduce_sum3A [0] : vector<32x4096xi32> to vector<4096xi32>
    %broadcast_in_dim3A = vector.shape_cast %reduce_sum3A_2 : vector<4096xi32> to vector<1x4096xi32>
    %scan3A = arith.constant 0 : i32
    %scan3A_3 = arith.constant 4096 : i32
    %scan3A_4 = arith.constant 0 : i32
    %scan3A_5 = arith.constant 12 : i32
    %scan3A_6 = arith.addi %scan3A_4, %scan3A_5 : i32
    %scan3A_7 = arith.constant 1 : i32
    %scan3A_8:2 = scf.for %scan3A_56 = %scan3A_4 to %scan3A_6 step %scan3A_7 iter_args(%scan3A_57 = %scan3A, %scan3A_58 = %scan3A_3) -> (i32, i32)  : i32 {
      %sub3A_59 = arith.subi %scan3A_58, %scan3A_57 : i32
      %jit3A_60 = arith.constant 2 : i32
      %div3A_61 = arith.divsi %sub3A_59, %jit3A_60 : i32
      %sign3A = arith.constant 0 : i32
      %sign3A_62 = arith.cmpi sgt, %sub3A_59, %sign3A : i32
      %sign3A_63 = arith.extui %sign3A_62 : i1 to i32
      %sign3A_64 = arith.constant 0 : i32
      %sign3A_65 = arith.cmpi slt, %sub3A_59, %sign3A_64 : i32
      %sign3A_66 = arith.extui %sign3A_65 : i1 to i32
      %sign3A_67 = arith.subi %sign3A_63, %sign3A_66 : i32
      %sign3A_68 = arith.constant 0 : i32
      %sign3A_69 = arith.cmpi sgt, %jit3A_60, %sign3A_68 : i32
      %sign3A_70 = arith.extui %sign3A_69 : i1 to i32
      %sign3A_71 = arith.constant 0 : i32
      %sign3A_72 = arith.cmpi slt, %jit3A_60, %sign3A_71 : i32
      %sign3A_73 = arith.extui %sign3A_72 : i1 to i32
      %sign3A_74 = arith.subi %sign3A_70, %sign3A_73 : i32
      %ne3A = arith.cmpi ne, %sign3A_67, %sign3A_74 : i32
      %rem3A = arith.remsi %sub3A_59, %jit3A_60 : i32
      %ne3A_75 = arith.constant 0 : i32
      %ne3A_76 = arith.cmpi ne, %rem3A, %ne3A_75 : i32
      %and3A_77 = arith.andi %ne3A, %ne3A_76 : i1
      %sub3A_78 = arith.constant 1 : i32
      %sub3A_79 = arith.subi %div3A_61, %sub3A_78 : i32
      %select_n3A_80 = arith.select %and3A_77, %sub3A_79, %div3A_61 : i32
      %add3A_81 = arith.addi %scan3A_57, %select_n3A_80 : i32
      %ge3A_82 = vector.broadcast %add3A_81 : i32 to vector<1x4096xi32>
      %ge3A_83 = arith.cmpi sge, %iota3A, %ge3A_82 : vector<1x4096xi32>
      %jit3A_84 = arith.constant 0 : i32
      %broadcast_in_dim3A_85 = vector.broadcast %jit3A_84 : i32 to vector<1x4096xi32>
      %select_n3A_86 = arith.select %ge3A_83, %broadcast_in_dim3A, %broadcast_in_dim3A_85 : vector<1x4096xi1>, vector<1x4096xi32>
      %reduce_sum3A_87 = vector.shape_cast %select_n3A_86 : vector<1x4096xi32> to vector<1x1x4096xi32>
      %reduce_sum3A_88 = arith.constant dense<0> : vector<1xi32>
      %reduce_sum3A_89 = vector.multi_reduction <add>, %reduce_sum3A_87, %reduce_sum3A_88 [1, 2] : vector<1x1x4096xi32> to vector<1xi32>
      %reduce_sum3A_90 = vector.shape_cast %reduce_sum3A_89 : vector<1xi32> to vector<1x1x1xi32>
      %reduce_sum3A_91 = vector.extract %reduce_sum3A_90[0, 0, 0] : i32 from vector<1x1x1xi32>
      %ge3A_92 = arith.constant 104857 : i32
      %ge3A_93 = arith.cmpi sge, %reduce_sum3A_91, %ge3A_92 : i32
      %select_n3A_94 = arith.select %ge3A_93, %add3A_81, %scan3A_57 : i32
      %select_n3A_95 = arith.select %ge3A_93, %scan3A_58, %add3A_81 : i32
      scf.yield %select_n3A_94, %select_n3A_95 : i32, i32
    }
    %get3A_9 = arith.constant 0 : index
    %get3A_10 = arith.constant 0 : index
    %get3A_11 = vector.load %arg0[%get3A_9, %get3A_10] : memref<64x8192xi32, #tpu.memory_space<vmem>>, vector<64x8192xi32>
    %shift_left3A = arith.constant 19 : i32
    %shift_left3A_12 = arith.shli %scan3A_8#0, %shift_left3A : i32
    %add3A = arith.constant 524288 : i32
    %add3A_13 = arith.addi %shift_left3A_12, %add3A : i32
    %scan3A_14 = arith.constant 0 : i32
    %scan3A_15 = arith.constant 6 : i32
    %scan3A_16 = arith.addi %scan3A_14, %scan3A_15 : i32
    %scan3A_17 = arith.constant 1 : i32
    %scan3A_18:2 = scf.for %scan3A_56 = %scan3A_14 to %scan3A_16 step %scan3A_17 iter_args(%scan3A_57 = %shift_left3A_12, %scan3A_58 = %add3A_13) -> (i32, i32)  : i32 {
      %sub3A_59 = arith.subi %scan3A_58, %scan3A_57 : i32
      %jit3A_60 = arith.constant 2 : i32
      %div3A_61 = arith.divsi %sub3A_59, %jit3A_60 : i32
      %sign3A = arith.constant 0 : i32
      %sign3A_62 = arith.cmpi sgt, %sub3A_59, %sign3A : i32
      %sign3A_63 = arith.extui %sign3A_62 : i1 to i32
      %sign3A_64 = arith.constant 0 : i32
      %sign3A_65 = arith.cmpi slt, %sub3A_59, %sign3A_64 : i32
      %sign3A_66 = arith.extui %sign3A_65 : i1 to i32
      %sign3A_67 = arith.subi %sign3A_63, %sign3A_66 : i32
      %sign3A_68 = arith.constant 0 : i32
      %sign3A_69 = arith.cmpi sgt, %jit3A_60, %sign3A_68 : i32
      %sign3A_70 = arith.extui %sign3A_69 : i1 to i32
      %sign3A_71 = arith.constant 0 : i32
      %sign3A_72 = arith.cmpi slt, %jit3A_60, %sign3A_71 : i32
      %sign3A_73 = arith.extui %sign3A_72 : i1 to i32
      %sign3A_74 = arith.subi %sign3A_70, %sign3A_73 : i32
      %ne3A = arith.cmpi ne, %sign3A_67, %sign3A_74 : i32
      %rem3A = arith.remsi %sub3A_59, %jit3A_60 : i32
      %ne3A_75 = arith.constant 0 : i32
      %ne3A_76 = arith.cmpi ne, %rem3A, %ne3A_75 : i32
      %and3A_77 = arith.andi %ne3A, %ne3A_76 : i1
      %sub3A_78 = arith.constant 1 : i32
      %sub3A_79 = arith.subi %div3A_61, %sub3A_78 : i32
      %select_n3A_80 = arith.select %and3A_77, %sub3A_79, %div3A_61 : i32
      %add3A_81 = arith.addi %scan3A_57, %select_n3A_80 : i32
      %ge3A_82 = vector.broadcast %add3A_81 : i32 to vector<64x8192xi32>
      %ge3A_83 = arith.cmpi sge, %get3A_11, %ge3A_82 : vector<64x8192xi32>
      %convert_element_type3A_84 = arith.extui %ge3A_83 : vector<64x8192xi1> to vector<64x8192xi32>
      %reduce_sum3A_85 = vector.shape_cast %convert_element_type3A_84 : vector<64x8192xi32> to vector<1x64x8192xi32>
      %reduce_sum3A_86 = arith.constant dense<0> : vector<1xi32>
      %reduce_sum3A_87 = vector.multi_reduction <add>, %reduce_sum3A_85, %reduce_sum3A_86 [1, 2] : vector<1x64x8192xi32> to vector<1xi32>
      %reduce_sum3A_88 = vector.shape_cast %reduce_sum3A_87 : vector<1xi32> to vector<1x1x1xi32>
      %reduce_sum3A_89 = vector.extract %reduce_sum3A_88[0, 0, 0] : i32 from vector<1x1x1xi32>
      %ge3A_90 = arith.constant 104857 : i32
      %ge3A_91 = arith.cmpi sge, %reduce_sum3A_89, %ge3A_90 : i32
      %select_n3A_92 = arith.select %ge3A_91, %add3A_81, %scan3A_57 : i32
      %select_n3A_93 = arith.select %ge3A_91, %scan3A_58, %add3A_81 : i32
      scf.yield %select_n3A_92, %select_n3A_93 : i32, i32
    }
    %bitcast_convert_type3A = tpu.bitcast %get3A_11 : vector<64x8192xi32> -> vector<64x8192xf32>
    %ge3A = vector.broadcast %scan3A_18#1 : i32 to vector<64x8192xi32>
    %ge3A_19 = arith.cmpi sge, %get3A_11, %ge3A : vector<64x8192xi32>
    %ge3A_20 = vector.broadcast %scan3A_18#0 : i32 to vector<64x8192xi32>
    %ge3A_21 = arith.cmpi sge, %get3A_11, %ge3A_20 : vector<64x8192xi32>
    %not3A = arith.constant dense<true> : vector<64x8192xi1>
    %not3A_22 = arith.xori %ge3A_19, %not3A : vector<64x8192xi1>
    %and3A = arith.andi %ge3A_21, %not3A_22 : vector<64x8192xi1>
    %jit3A = arith.constant 0.000000e+00 : f32
    %broadcast_in_dim3A_23 = vector.broadcast %jit3A : f32 to vector<64x8192xf32>
    %select_n3A = arith.select %ge3A_19, %bitcast_convert_type3A, %broadcast_in_dim3A_23 : vector<64x8192xi1>, vector<64x8192xf32>
    %reduce_sum3A_24 = vector.shape_cast %select_n3A : vector<64x8192xf32> to vector<1x64x8192xf32>
    %reduce_sum3A_25 = arith.constant dense<0.000000e+00> : vector<1xf32>
    %reduce_sum3A_26 = vector.multi_reduction <add>, %reduce_sum3A_24, %reduce_sum3A_25 [1, 2] : vector<1x64x8192xf32> to vector<1xf32>
    %reduce_sum3A_27 = vector.shape_cast %reduce_sum3A_26 : vector<1xf32> to vector<1x1x1xf32>
    %reduce_sum3A_28 = vector.extract %reduce_sum3A_27[0, 0, 0] : f32 from vector<1x1x1xf32>
    %convert_element_type3A = arith.extui %ge3A_19 : vector<64x8192xi1> to vector<64x8192xi32>
    %reduce_sum3A_29 = vector.shape_cast %convert_element_type3A : vector<64x8192xi32> to vector<1x64x8192xi32>
    %reduce_sum3A_30 = arith.constant dense<0> : vector<1xi32>
    %reduce_sum3A_31 = vector.multi_reduction <add>, %reduce_sum3A_29, %reduce_sum3A_30 [1, 2] : vector<1x64x8192xi32> to vector<1xi32>
    %reduce_sum3A_32 = vector.shape_cast %reduce_sum3A_31 : vector<1xi32> to vector<1x1x1xi32>
    %reduce_sum3A_33 = vector.extract %reduce_sum3A_32[0, 0, 0] : i32 from vector<1x1x1xi32>
    %jit3A_34 = arith.constant 0.000000e+00 : f32
    %broadcast_in_dim3A_35 = vector.broadcast %jit3A_34 : f32 to vector<64x8192xf32>
    %select_n3A_36 = arith.select %and3A, %bitcast_convert_type3A, %broadcast_in_dim3A_35 : vector<64x8192xi1>, vector<64x8192xf32>
    %reduce_sum3A_37 = vector.shape_cast %select_n3A_36 : vector<64x8192xf32> to vector<1x64x8192xf32>
    %reduce_sum3A_38 = arith.constant dense<0.000000e+00> : vector<1xf32>
    %reduce_sum3A_39 = vector.multi_reduction <add>, %reduce_sum3A_37, %reduce_sum3A_38 [1, 2] : vector<1x64x8192xf32> to vector<1xf32>
    %reduce_sum3A_40 = vector.shape_cast %reduce_sum3A_39 : vector<1xf32> to vector<1x1x1xf32>
    %reduce_sum3A_41 = vector.extract %reduce_sum3A_40[0, 0, 0] : f32 from vector<1x1x1xf32>
    %convert_element_type3A_42 = arith.extui %and3A : vector<64x8192xi1> to vector<64x8192xi32>
    %reduce_sum3A_43 = vector.shape_cast %convert_element_type3A_42 : vector<64x8192xi32> to vector<1x64x8192xi32>
    %reduce_sum3A_44 = arith.constant dense<0> : vector<1xi32>
    %reduce_sum3A_45 = vector.multi_reduction <add>, %reduce_sum3A_43, %reduce_sum3A_44 [1, 2] : vector<1x64x8192xi32> to vector<1xi32>
    %reduce_sum3A_46 = vector.shape_cast %reduce_sum3A_45 : vector<1xi32> to vector<1x1x1xi32>
    %reduce_sum3A_47 = vector.extract %reduce_sum3A_46[0, 0, 0] : i32 from vector<1x1x1xi32>
    %convert_element_type3A_48 = arith.sitofp %reduce_sum3A_47 : i32 to f32
    %div3A = arith.divf %reduce_sum3A_41, %convert_element_type3A_48 : f32
    %sub3A = arith.constant 104857 : i32
    %sub3A_49 = arith.subi %sub3A, %reduce_sum3A_33 : i32
    %convert_element_type3A_50 = arith.sitofp %sub3A_49 : i32 to f32
    %mul3A = arith.mulf %convert_element_type3A_50, %div3A : f32
    %add3A_51 = arith.addf %reduce_sum3A_28, %mul3A : f32
    %div3A_52 = arith.constant 1.048570e+05 : f32
    %div3A_53 = arith.divf %add3A_51, %div3A_52 : f32
    %swap3A = arith.constant 0 : index
    %swap3A_54 = arith.constant 0 : index
    %swap3A_55 = memref.load %arg2[%swap3A, %swap3A_54] : memref<1x1xf32, #tpu.memory_space<smem>>
    memref.store %div3A_53, %arg2[%swap3A, %swap3A_54] : memref<1x1xf32, #tpu.memory_space<smem>>
    return
  }
}

</mosaic_0001>

<sc_bundles>
// kernel: kernel.5.cloned.1.call-start
scs
__scs_entry_jumppad:
0x0: {  	(pc) =	sbr.rel $0x88, $3  }
0x1: {  	(tag) =	ssettag $0x0;
	lr =	simm.s32 $0x1  }
0x2: {  	[smem:$0x3F9F] =	sst lr;
	_ =	strace $0xD0000000  }
0x3: {  	_ = 	snop  }
0x4: {  	_ = 	snop  }
0x5: {  	_ = 	snop  }
0x6: {  	_ = 	snop  }
0x7: {  	_ = 	snop  }
__scs_overlays_trampoline_lowered:
0x8: {  	[smem:$0x3FAE] =	sst s0  }
0x9: {  	[smem:$0x3FAF] =	sst s1  }
0xa: {  	[smem:$0x3FB0] =	sst s2  }
0xb: {  	[smem:$0x3FB1] =	sst s3  }
0xc: {  	[smem:$0x3FB2] =	sst s4  }
0xd: {  	[smem:$0x3FB3] =	sst s5  }
0xe: {  	[smem:$0x3FB4] =	sst s6  }
0xf: {  	[smem:$0x3FB5] =	sst s7  }
0x10: {  	[smem:$0x3FB6] =	sst s8  }
0x11: {  	[smem:$0x3FB7] =	sst s9;
	s0 =	simm.s32 @!p0 $0x0  }
0x12: {  	s1 =	sld [smem:$0x3F9D];
	s0 =	simm.s32 @p0 $0x1  }
0x13: {  	[smem:$0x3FB8] =	sst s0;
	s0 =	simm.s32 @!p1 $0x0  }
0x14: {  	s2 =	sld [smem:$0x3F9C];
	s0 =	simm.s32 @p1 $0x1  }
0x15: {  	[smem:$0x3FB9] =	sst s0;
	s0 =	simm.s32 @!p2 $0x0  }
0x16: {  	s3 =	sld [smem:$0x3FDB];
	s0 =	simm.s32 @p2 $0x1  }
0x17: {  	s4 =	simm.s32 $0x1BF5;
	[smem:$0x3FBB] =	sst s0  }
0x18: {  	s0 =	sld [smem:$0x3F9E];
	_ =	swait.ge [sflag:s4], $0x0  }
0x19: {  	s7 =	sld [smem:$0x3F9F]  }
0x1a: {  	s8 =	sadd.s32 $0xFFFFE003, lr  }
0x1b: {  	s9 =	sadd.s32 $0xFFFFFEF7, lr;
	s5 =	simm.s32 $0xFFFFFFFF;
	p2 =	slt.u32 s8, $0xFFFFF086  }
0x1c: {  	p1 =	slt.u32 s9, $0xF7A;
	s5 =	simm.s32 @!p2 $0x0  }
0x1d: {  	s5 =	simm.s32 @p1 $0x1;
	p0 =	seq.s32 s7, s2  }
0x1e: {  	s7 =	smul.u32 @!p0 $0xF7A, s2;
	p2 =	seq.s32 @!p0 s5, $0x0  }
0x1f: {  	s9 =	smul.u32 $0xF7A, s1;
	s8 =	simm.s32 @!p0 $0x1BF5;
	p2 =	por !p2, p0  }
0x20: {  	[sflag:s8] =	ssyncset.s32 @!p0 $0xFFFFF086;
	s6 =	sadd.s32 @!p0 s3, s7;
	s7 =	simm.s32 @!p0 $0x108  }
0x21: {  	s3 =	sadd.s32 s3, s9;
	s6 =	sadd.s32 @!p0 $0x88, s6;
	s7 =	simm.s32 @p2 $0x1082  }
0x22: {  	[simem:s7], [sflag:s8] =	dma.local @!p0 [hbm:s6], $0xF7A  }
0x23: {  	s9 =	sor.u32 $0xD0000000, s2;
	s6 =	simm.s32 $0x108;
	_ =	swait.ge @!p0 [sflag:s8], $0x0  }
0x24: {  	s3 =	sadd.s32 $0x88, s3;
	s6 =	simm.s32 @!p1 $0x1082;
	[sflag:s4] =	ssyncset.s32 $0xFFFFF086  }
0x25: {  	[simem:s6], [sflag:s4] =	dma.local [hbm:s3], $0xF7A  }
0x26: {  	[smem:$0x3F9F] =	sst s1;
	(tag) =	ssettag s2;
	_ =	strace s9  }
0x27: {  	s1 =	sld [smem:$0x3FAF]  }
0x28: {  	s2 =	sld [smem:$0x3FB0]  }
0x29: {  	s4 =	sld [smem:$0x3FB2]  }
0x2a: {  	p0 =	seq.s32 s5, $0x0;
	s5 =	sld [smem:$0x3FB3]  }
0x2b: {  	s6 =	sld [smem:$0x3FB4]  }
0x2c: {  	s7 =	sld [smem:$0x3FB5]  }
0x2d: {  	s3 =	simm.s32 $0x108;
	s8 =	sld [smem:$0x3FB6]  }
0x2e: {  	s3 =	simm.s32 @!p0 $0x1082;
	s9 =	sld [smem:$0x3FB7]  }
0x2f: {  	lr =	sadd.s32 s0, s3;
	s0 =	sld [smem:$0x3FAE]  }
0x30: {  	s3 =	sld [smem:$0x3FB1]  }
0x31: {  	[smem:$0x3FBA] =	sst s10  }
0x32: {  	s10 =	sld [smem:$0x3FB8];
	_ =	sdelay $0x3  }
0x33: {  	p0 =	seq.s32 s10, $0x1;
	s10 =	sld [smem:$0x3FBA];
	_ =	sdelay $0x3  }
0x34: {  	[smem:$0x3FBA] =	sst s10  }
0x35: {  	s10 =	sld [smem:$0x3FB9];
	_ =	sdelay $0x3  }
0x36: {  	p1 =	seq.s32 s10, $0x1;
	s10 =	sld [smem:$0x3FBA];
	_ =	sdelay $0x3  }
0x37: {  	[smem:$0x3FBA] =	sst s10  }
0x38: {  	s10 =	sld [smem:$0x3FBB]  }
0x39: {  	_ = 	snop;
	(pc) =	sbr.ind lr, $3  }
0x3a: {  	_ = 	snop  }
0x3b: {  	_ = 	snop  }
0x3c: {  	p2 =	seq.s32 s10, $0x1;
	s10 =	sld [smem:$0x3FBA]  }
0x3d: {  	_ =	shalt  }
0x3e: {  	_ =	shalt  }
0x3f: {  	_ =	shalt  }
0x40: {  	_ =	shalt  }
0x41: {  	_ =	shalt  }
0x42: {  	_ =	shalt  }
0x43: {  	_ =	shalt  }
0x44: {  	_ =	shalt  }
0x45: {  	_ =	shalt  }
0x46: {  	_ =	shalt  }
0x47: {  	_ =	shalt  }
0x48: {  	_ =	shalt  }
0x49: {  	_ =	shalt  }
0x4a: {  	_ =	shalt  }
0x4b: {  	_ =	shalt  }
0x4c: {  	_ =	shalt  }
0x4d: {  	_ =	shalt  }
0x4e: {  	_ =	shalt  }
0x4f: {  	_ =	shalt  }
0x50: {  	_ =	shalt  }
0x51: {  	_ =	shalt  }
0x52: {  	_ =	shalt  }
0x53: {  	_ =	shalt  }
0x54: {  	_ =	shalt  }
0x55: {  	_ =	shalt  }
0x56: {  	_ =	shalt  }
0x57: {  	_ =	shalt  }
0x58: {  	_ =	shalt  }
0x59: {  	_ =	shalt  }
0x5a: {  	_ =	shalt  }
0x5b: {  	_ =	shalt  }
0x5c: {  	_ =	shalt  }
0x5d: {  	_ =	shalt  }
0x5e: {  	_ =	shalt  }
0x5f: {  	_ =	shalt  }
0x60: {  	_ =	shalt  }
0x61: {  	_ =	shalt  }
0x62: {  	_ =	shalt  }
0x63: {  	_ =	shalt  }
0x64: {  	_ =	shalt  }
0x65: {  	_ =	shalt  }
0x66: {  	_ =	shalt  }
0x67: {  	_ =	shalt  }
0x68: {  	_ =	shalt  }
0x69: {  	_ =	shalt  }
0x6a: {  	_ =	shalt  }
0x6b: {  	_ =	shalt  }
0x6c: {  	_ =	shalt  }
0x6d: {  	_ =	shalt  }
0x6e: {  	_ =	shalt  }
0x6f: {  	_ =	shalt  }
0x70: {  	_ =	shalt  }
0x71: {  	_ =	shalt  }
0x72: {  	_ =	shalt  }
0x73: {  	_ =	shalt  }
0x74: {  	_ =	shalt  }
0x75: {  	_ =	shalt  }
0x76: {  	_ =	shalt  }
0x77: {  	_ =	shalt  }
0x78: {  	_ =	shalt  }
0x79: {  	_ =	shalt  }
0x7a: {  	_ =	shalt  }
0x7b: {  	_ =	shalt  }
0x7c: {  	_ =	shalt  }
0x7d: {  	_ =	shalt  }
0x7e: {  	_ =	shalt  }
0x7f: {  	_ =	shalt  }
0x80: {  	_ =	shalt  }
0x81: {  	_ =	shalt  }
0x82: {  	_ =	shalt  }
0x83: {  	_ =	shalt  }
0x84: {  	_ =	shalt  }
0x85: {  	_ =	shalt  }
0x86: {  	_ =	shalt  }
0x87: {  	_ =	shalt  }
.Lfunc_end0:
.L_simem_size_0:
called_computation_lowered:
.L_overlay_start_0:
0x88: {  	s2 =	sld [smem:$0x3FD9]  }
0x89: {  	s3 =	sld [smem:$0x3FFE];
	_ =	sdelay $0x1  }
0x8a: {  	s1 =	srdreg.scid  }
0x8b: {  	s0 =	sand.u32 $0x1, s1  }
0x8c: {  	s16 =	sshll.u32 s0, $0xA;
	s2 =	sadd.s32 s3, s2  }
0x8d: {  	s2 =	sadd.s32 s2, s16  }
0x8e: {  	[smem:$0x3FC6] =	sst s2  }
0x8f: {  	_ = 	snop  }
0x90: {  	(tm) =	ssettm $0x1  }
0x91: {  	s17 =	sld [smem:$0x3FFB];
	_ =	sdelay $0x3  }
0x92: {  	_ =	strace s17  }
0x93: {  	s2 =	sld [smem:$0x3FFC];
	_ =	sdelay $0x3  }
0x94: {  	_ =	strace s2  }
0x95: {  	s2 =	sld [smem:$0x3FFD];
	_ =	sdelay $0x3  }
0x96: {  	_ =	strace s2  }
0x97: {  	_ =	strace $0x8FFFFFFF  }
0x98: {  	s18 =	sld [smem:$0x3FDB];
	_ =	sdelay $0x1  }
0x99: {  	s19 =	simm.s32 $_scs_section_size  }
0x9a: {  	s4 =	simm.s32 $_size__tile_overlayer_lowered;
	s5 =	simm.s32 $_tile_overlayer_lowered  }
0x9b: {  	s22 =	simm.s32 $0x1BFF;
	s21 =	sshll.u32 s5, $0x1;
	s2 =	sadd.s32 s19, s18  }
0x9c: {  	s6 =	simm.s32 $0x0;
	s20 =	sshll.u32 s4, $0x1;
	s4 =	sadd.s32 s21, s2  }
0x9d: {  	[timem:s6], [sflag:s22] =	dma.local [hbm:s4], s20  }
0x9e: {  	_ =	swait.ge [sflag:s22], s20  }
0x9f: {  	s3 =	ssub.s32 $0x0, s20;
	[sflag:s22] =	ssyncset.done $0x0  }
0xa0: {  	[sflag:s22] =	ssyncadd.s32 s3;
	_ =	sdelay $0x1  }
0xa1: {  	s23 =	simm.s32 $0x1B8B  }
0xa2: {  	_ =	swait.ge [sflag:s23], $0x1  }
0xa3: {  	[sflag:s23] =	ssyncset.done $0x0  }
0xa4: {  	s25 =	simm.s32 $0x1B8E;
	s24 =	sld [smem:$0x3FFE];
	[sflag:s23] =	ssyncadd.s32 $0xFFFFFFFF  }
0xa5: {  	s26 =	simm.s32 $execute0_lowered;
	[smem:$0x3FD2] =	sst s25  }
0xa6: {  	s4 =	sshll.u32 s26, $0x1;
	_ =	strace $0x80000046;
	[dreg:$0x1] =	wrdreg $0xFFFFFFFF  }
0xa7: {  	s28 =	simm.s32 $_size_execute0_lowered;
	s2 =	sadd.s32 s2, s4;
	[dreg:$0x0] =	wrdreg $0x0  }
0xa8: {  	s4 =	sshll.u32 s28, $0x1;
	[dreg:$0x2] =	wrdreg s2  }
0xa9: {  	[dreg:$0x3] =	wrdreg s4  }
0xaa: {  	[dreg:$0x4] =	wrdreg $0xC0  }
0xab: {  	_ =	task [dreg:s6], $0x5FFFF  }
0xac: {  	[dreg:$0x1] =	wrdreg $0xFFFFFFFF  }
0xad: {  	[dreg:$0x0] =	wrdreg $0x60  }
0xae: {  	[dreg:$0x2] =	wrdreg s24  }
0xaf: {  	[dreg:$0x3] =	wrdreg $0x9  }
0xb0: {  	_ =	task.clear_ibuf [dreg:s6], $0x4FFFF;
	_ =	strace $0x90000046  }
0xb1: {  	s29 =	simm.s32 $0x9;
	_ =	strace $0x80000048  }
0xb2: {  	_ =	swait.ge [sflag:s29], $0x1  }
0xb3: {  	[sflag:s29] =	ssyncadd.s32 $0xFFFFFFFF  }
0xb4: {  	_ =	strace $0x90000048  }
0xb5: {  	_ =	sfence  }
0xb6: {  	s30 =	sld [smem:$0x0];
	_ =	sdelay $0x2  }
0xb7: {  	s31 =	sshll.u32 s1, $0xD;
	s1 =	sshrl.u32 s1, $0x2  }
0xb8: {  	s3 =	sand.u32 $0x4000, s31;
	s1 =	sadd.s32 s1, s30  }
0xb9: {  	s0 =	sor.u32 s3, s0;
	s1 =	sshll.u32 s1, $0x11  }
0xba: {  	s0 =	sor.u32 s1, s0  }
0xbb: {  	s0 =	sadd.s32 $0x8F2B, s0  }
0xbc: {  	[sflag:s0] =	ssyncadd.remote.s32 $0x1  }
0xbd: {  	_ =	sfence.sel $0xFFFF  }
0xbe: {  	[dreg:$0x0] =	wrdreg $0xFFFFFFFF;
	(pc) =	sbr.abs _section_cstart, $3  }
0xbf: {  	[dreg:$0x1] =	wrdreg $0xFFFFFFFF  }
0xc0: {  	_ =	task.clear_ibuf [dreg:s6], $0x2FFFF;
	_ =	strace $0x9FFFFFFF  }
0xc1: {  	(tm) =	ssettm $0x7FFFFFFF  }
tec
execute0_lowered:
.L_overlay_start_1:
0x0: {  	(tag) =	ssettag $0x1  }
0x1: {  	s3 =	rddreg [dreg:$0x0]  }
0x2: {  	s0 =	rddreg [dreg:$0x1];
	s4 =	srdreg.scid  }
0x3: {  	s1 =	stileid.u32;
	s2 =	simm.s32 $0x0;
	s9 =	simm.s32 $0x400  }
0x4: {  	s10 =	simm.s32 $0x2;
	s11 =	simm.s32 $0x0;
	s4 =	sand.u32 $0x1, s4  }
0x5: {  	s5 =	sshll.u32 s1, $0x1;
	[smem:$0x7FF] =	sst s2;
	s7 =	sshll.u32 s1, $0xA  }
0x6: {  	s5 =	sor.u32 s4, s5;
	_ =	strace $0x80000047;
	s7 =	sand.u32 $0x3000, s7  }
0x7: {  	s4 =	ssub.s32 $0x2, s4;
	s6 =	sshll.u32 s5, $0xB;
	s5 =	sshll.u32 s5, $0x4  }
0x8: {  	s7 =	sadd.s32 s7, s3;
	s8 =	sshrl.u32 s4, $0x1;
	s5 =	sand.u32 $0x70, s5  }
0x9: {  	s3 =	sadd.s32 s6, s3;
	s30 =	ssub.s32 s4, s8;
	s6 =	simm.s32 $0x1  }
0xa: {  	s8 =	simm.s32 $0x80;
	s31 =	sadd.s32 s5, s7;
	s3 =	sadd.s32 $0xA00, s3  }
0xb: {  	v0 =	vimm.s32 $0x0;
	v1 =	vimm.s32 $0x1;
	s5 =	smax.u32 s30, $0x1;
	s7 =	simm.s32 $0x4000;
	s4 =	sadd.s32 $0x10A00, s31  }
.LBB2_1:
0xc: {  	[tilespmem:s2], [sflag:$0x1] =	stream.linear.gather [hbm4b:s3+s2], $0x4000, $0x38;
	[tilespmem:$0x5000] =	vst v63  }
0xd: {  	s12 =	simm.s32 $0x40;
	s13 =	simm.s32 $0x0  }
.LBB2_2:
0xe: {  	p0 =	sne.s32 s12, $0x3FC0;
	[tilespmem:s13+$0x4000] =	vst v0;
	s13 =	smov.u32 s12;
	s12 =	sadd.s32 $0x40, s12  }
.Ltmp0:
0xf: {  	(pc) =	sbr.rel @p0 .LBB2_2-.Ltmp0, $2  }
0x10: {  	_ =	sdelay $0x2  }
0x11: {  	s13 =	sshra.s32 s13, $0x2  }
0x12: {  	[tilespmem:s13+$0x4000] =	vst v0  }
0x13: {  	_ =	swait.ge [sflag:s6], $0x4000  }
0x14: {  	[sflag:s6] =	ssyncset.done $0x0  }
0x15: {  	s12 =	simm.s32 $0x0;
	[sflag:s6] =	ssyncadd.s32 $0xFFFFC000  }
.LBB2_4:
0x16: {  	s13 =	sshra.s32 s12, $0x2  }
0x17: {  	v2 =	vld [tilespmem:s13+$0x0];
	_ =	sdelay $0x4  }
0x18: {  	v2 =	vshra.s32 v2, $0x13;
	_ =	sdelay $0x4  }
0x19: {  	[tilespmem:v2+s7+$0x0] =	vst.idx.add.s32.msk $0xffff, v1  }
0x1a: {  	v2 =	vld [tilespmem:s13+$0x10];
	_ =	sdelay $0x4  }
0x1b: {  	v2 =	vshra.s32 v2, $0x13;
	_ =	sdelay $0x4  }
0x1c: {  	[tilespmem:v2+s7+$0x0] =	vst.idx.add.s32.msk $0xffff, v1  }
0x1d: {  	v2 =	vld [tilespmem:s13+$0x20];
	_ =	sdelay $0x4  }
0x1e: {  	v2 =	vshra.s32 v2, $0x13;
	_ =	sdelay $0x4  }
0x1f: {  	[tilespmem:v2+s7+$0x0] =	vst.idx.add.s32.msk $0xffff, v1  }
0x20: {  	v2 =	vld [tilespmem:s13+$0x30];
	_ =	sdelay $0x4  }
0x21: {  	v2 =	vshra.s32 v2, $0x13;
	_ =	sdelay $0x4  }
0x22: {  	[tilespmem:v2+s7+$0x0] =	vst.idx.add.s32.msk $0xffff, v1  }
0x23: {  	v2 =	vld [tilespmem:s13+$0x40];
	_ =	sdelay $0x4  }
0x24: {  	v2 =	vshra.s32 v2, $0x13;
	_ =	sdelay $0x4  }
0x25: {  	[tilespmem:v2+s7+$0x0] =	vst.idx.add.s32.msk $0xffff, v1  }
0x26: {  	v2 =	vld [tilespmem:s13+$0x50];
	_ =	sdelay $0x4  }
0x27: {  	v2 =	vshra.s32 v2, $0x13;
	_ =	sdelay $0x4  }
0x28: {  	[tilespmem:v2+s7+$0x0] =	vst.idx.add.s32.msk $0xffff, v1  }
0x29: {  	v2 =	vld [tilespmem:s13+$0x60];
	_ =	sdelay $0x4  }
0x2a: {  	v2 =	vshra.s32 v2, $0x13;
	_ =	sdelay $0x4  }
0x2b: {  	[tilespmem:v2+s7+$0x0] =	vst.idx.add.s32.msk $0xffff, v1  }
0x2c: {  	v2 =	vld [tilespmem:s13+$0x70];
	_ =	sdelay $0x4  }
0x2d: {  	v2 =	vshra.s32 v2, $0x13;
	_ =	sdelay $0x4  }
0x2e: {  	[tilespmem:v2+s7+$0x0] =	vst.idx.add.s32.msk $0xffff, v1  }
0x2f: {  	v2 =	vld [tilespmem:s13+$0x80];
	_ =	sdelay $0x4  }
0x30: {  	v2 =	vshra.s32 v2, $0x13;
	_ =	sdelay $0x4  }
0x31: {  	[tilespmem:v2+s7+$0x0] =	vst.idx.add.s32.msk $0xffff, v1  }
0x32: {  	v2 =	vld [tilespmem:s13+$0x90];
	_ =	sdelay $0x4  }
0x33: {  	v2 =	vshra.s32 v2, $0x13;
	_ =	sdelay $0x4  }
0x34: {  	[tilespmem:v2+s7+$0x0] =	vst.idx.add.s32.msk $0xffff, v1  }
0x35: {  	v2 =	vld [tilespmem:s13+$0xA0];
	_ =	sdelay $0x4  }
0x36: {  	v2 =	vshra.s32 v2, $0x13;
	_ =	sdelay $0x4  }
0x37: {  	[tilespmem:v2+s7+$0x0] =	vst.idx.add.s32.msk $0xffff, v1  }
0x38: {  	v2 =	vld [tilespmem:s13+$0xB0];
	_ =	sdelay $0x4  }
0x39: {  	v2 =	vshra.s32 v2, $0x13;
	_ =	sdelay $0x4  }
0x3a: {  	[tilespmem:v2+s7+$0x0] =	vst.idx.add.s32.msk $0xffff, v1  }
0x3b: {  	v2 =	vld [tilespmem:s13+$0xC0];
	_ =	sdelay $0x4  }
0x3c: {  	v2 =	vshra.s32 v2, $0x13;
	_ =	sdelay $0x4  }
0x3d: {  	[tilespmem:v2+s7+$0x0] =	vst.idx.add.s32.msk $0xffff, v1  }
0x3e: {  	v2 =	vld [tilespmem:s13+$0xD0];
	_ =	sdelay $0x4  }
0x3f: {  	v2 =	vshra.s32 v2, $0x13;
	_ =	sdelay $0x4  }
0x40: {  	[tilespmem:v2+s7+$0x0] =	vst.idx.add.s32.msk $0xffff, v1  }
0x41: {  	v2 =	vld [tilespmem:s13+$0xE0];
	_ =	sdelay $0x4  }
0x42: {  	v2 =	vshra.s32 v2, $0x13;
	_ =	sdelay $0x4  }
0x43: {  	[tilespmem:v2+s7+$0x0] =	vst.idx.add.s32.msk $0xffff, v1  }
0x44: {  	v2 =	vld [tilespmem:s13+$0xF0];
	_ =	sdelay $0x4  }
0x45: {  	v2 =	vshra.s32 v2, $0x13;
	_ =	sdelay $0x4  }
0x46: {  	[tilespmem:v2+s7+$0x0] =	vst.idx.add.s32.msk $0xffff, v1  }
0x47: {  	v2 =	vld [tilespmem:s13+$0x100];
	_ =	sdelay $0x4  }
0x48: {  	v2 =	vshra.s32 v2, $0x13;
	_ =	sdelay $0x4  }
0x49: {  	[tilespmem:v2+s7+$0x0] =	vst.idx.add.s32.msk $0xffff, v1  }
0x4a: {  	v2 =	vld [tilespmem:s13+$0x110];
	_ =	sdelay $0x4  }
0x4b: {  	v2 =	vshra.s32 v2, $0x13;
	_ =	sdelay $0x4  }
0x4c: {  	[tilespmem:v2+s7+$0x0] =	vst.idx.add.s32.msk $0xffff, v1  }
0x4d: {  	v2 =	vld [tilespmem:s13+$0x120];
	_ =	sdelay $0x4  }
0x4e: {  	v2 =	vshra.s32 v2, $0x13;
	_ =	sdelay $0x4  }
0x4f: {  	[tilespmem:v2+s7+$0x0] =	vst.idx.add.s32.msk $0xffff, v1  }
0x50: {  	v2 =	vld [tilespmem:s13+$0x130];
	_ =	sdelay $0x4  }
0x51: {  	v2 =	vshra.s32 v2, $0x13;
	_ =	sdelay $0x4  }
0x52: {  	[tilespmem:v2+s7+$0x0] =	vst.idx.add.s32.msk $0xffff, v1  }
0x53: {  	v2 =	vld [tilespmem:s13+$0x140];
	_ =	sdelay $0x4  }
0x54: {  	v2 =	vshra.s32 v2, $0x13;
	_ =	sdelay $0x4  }
0x55: {  	[tilespmem:v2+s7+$0x0] =	vst.idx.add.s32.msk $0xffff, v1  }
0x56: {  	v2 =	vld [tilespmem:s13+$0x150];
	_ =	sdelay $0x4  }
0x57: {  	v2 =	vshra.s32 v2, $0x13;
	_ =	sdelay $0x4  }
0x58: {  	[tilespmem:v2+s7+$0x0] =	vst.idx.add.s32.msk $0xffff, v1  }
0x59: {  	v2 =	vld [tilespmem:s13+$0x160];
	_ =	sdelay $0x4  }
0x5a: {  	v2 =	vshra.s32 v2, $0x13;
	_ =	sdelay $0x4  }
0x5b: {  	[tilespmem:v2+s7+$0x0] =	vst.idx.add.s32.msk $0xffff, v1  }
0x5c: {  	v2 =	vld [tilespmem:s13+$0x170];
	_ =	sdelay $0x4  }
0x5d: {  	v2 =	vshra.s32 v2, $0x13;
	_ =	sdelay $0x4  }
0x5e: {  	[tilespmem:v2+s7+$0x0] =	vst.idx.add.s32.msk $0xffff, v1  }
0x5f: {  	v2 =	vld [tilespmem:s13+$0x180];
	_ =	sdelay $0x4  }
0x60: {  	v2 =	vshra.s32 v2, $0x13;
	_ =	sdelay $0x4  }
0x61: {  	[tilespmem:v2+s7+$0x0] =	vst.idx.add.s32.msk $0xffff, v1  }
0x62: {  	v2 =	vld [tilespmem:s13+$0x190];
	_ =	sdelay $0x4  }
0x63: {  	v2 =	vshra.s32 v2, $0x13;
	_ =	sdelay $0x4  }
0x64: {  	[tilespmem:v2+s7+$0x0] =	vst.idx.add.s32.msk $0xffff, v1  }
0x65: {  	v2 =	vld [tilespmem:s13+$0x1A0];
	_ =	sdelay $0x4  }
0x66: {  	v2 =	vshra.s32 v2, $0x13;
	_ =	sdelay $0x4  }
0x67: {  	[tilespmem:v2+s7+$0x0] =	vst.idx.add.s32.msk $0xffff, v1  }
0x68: {  	v2 =	vld [tilespmem:s13+$0x1B0];
	_ =	sdelay $0x4  }
0x69: {  	v2 =	vshra.s32 v2, $0x13;
	_ =	sdelay $0x4  }
0x6a: {  	[tilespmem:v2+s7+$0x0] =	vst.idx.add.s32.msk $0xffff, v1  }
0x6b: {  	v2 =	vld [tilespmem:s13+$0x1C0];
	_ =	sdelay $0x4  }
0x6c: {  	v2 =	vshra.s32 v2, $0x13;
	_ =	sdelay $0x4  }
0x6d: {  	[tilespmem:v2+s7+$0x0] =	vst.idx.add.s32.msk $0xffff, v1  }
0x6e: {  	v2 =	vld [tilespmem:s13+$0x1D0];
	_ =	sdelay $0x4  }
0x6f: {  	v2 =	vshra.s32 v2, $0x13;
	_ =	sdelay $0x4  }
0x70: {  	[tilespmem:v2+s7+$0x0] =	vst.idx.add.s32.msk $0xffff, v1  }
0x71: {  	v2 =	vld [tilespmem:s13+$0x1E0];
	_ =	sdelay $0x4  }
0x72: {  	v2 =	vshra.s32 v2, $0x13;
	_ =	sdelay $0x4  }
0x73: {  	[tilespmem:v2+s7+$0x0] =	vst.idx.add.s32.msk $0xffff, v1  }
0x74: {  	v2 =	vld [tilespmem:s13+$0x1F0];
	_ =	sdelay $0x4  }
0x75: {  	p0 =	sne.s32 s12, $0xF800;
	v2 =	vshra.s32 v2, $0x13  }
.Ltmp1:
0x76: {  	_ = 	snop;
	(pc) =	sbr.rel @p0 .LBB2_4-.Ltmp1, $2  }
0x77: {  	_ =	sdelay $0x2  }
0x78: {  	s12 =	sadd.s32 $0x800, s12;
	[tilespmem:v2+s7+$0x0] =	vst.idx.add.s32.msk $0xffff, v1  }
0x79: {  	s11 =	sadd.s32 $0x1, s11  }
0x7a: {  	p0 =	sne.s32 s11, s5  }
.Ltmp2:
0x7b: {  	_ = 	snop;
	(pc) =	sbr.rel @p0 .LBB2_1-.Ltmp2, $4  }
0x7c: {  	[hbm4b:s4+s8] =	stream.strided.scatter [tilespmem:s7], [sflag:$0x2], $0x1000, s9, s8, $0x38;
	[tilespmem:$0x5000] =	vst v63  }
0x7d: {  	_ =	swait.ge [sflag:s10], $0x1000  }
0x7e: {  	[sflag:s10] =	ssyncset.done $0x0  }
0x7f: {  	[sflag:s10] =	ssyncadd.s32 $0xFFFFF000  }
0x80: {  	_ =	sfence.sel $0x180000  }
0x81: {  	[bflag:$0x0] =	sbarrier.arrive $0xFFFF  }
0x82: {  	p0 =	sne.s32 s1, $0x0;
	_ =	strace $0x90000047  }
0x83: {  	s0 =	sadd.s32 @!p0 $0x100000, s0;
	[bflag:$0x2] =	sbarrier.arrive $0xFFFF  }
0x84: {  	[sflag:s0] =	ssyncadd.tile.s32 @!p0 $0x1;
	_ =	shalt  }
.Lfunc_end2:
_tile_overlayer_lowered:
.L_overlay_start_2:
0x85: {  	(tag) =	ssettag $0x2  }
0x86: {  	s0 =	rddreg [dreg:$0x0];
	s2 =	stileid.u32  }
0x87: {  	s1 =	rddreg [dreg:$0x1];
	p0 =	sne.s32 s2, $0x0  }
0x88: {  	s3 =	rddreg [dreg:$0x2];
	[bflag:$0x3] =	sbarrier.arrive $0xFFFF;
	s2 =	simm.s32 @!p0 $0x1C02  }
0x89: {  	[timem:s3], [sflag:s2] =	dma.local @!p0 [hbm:s0], s1  }
0x8a: {  	s0 =	simm.s32 @!p0 $0x2  }
0x8b: {  	_ =	swait.ge @!p0 [sflag:s0], s1  }
0x8c: {  	s1 =	ssub.s32 @!p0 $0x0, s1;
	[sflag:s0] =	ssyncset.done @!p0 $0x0  }
0x8d: {  	[sflag:s0] =	ssyncadd.s32 @!p0 s1  }
0x8e: {  	[bflag:$0x3] =	sbarrier.arrive $0xFFFF  }
0x8f: {  	_ =	shalt  }

</sc_bundles>
